<compile_context>
chip_gen: v7x
topology: tpu7x:2x2x1
jax: 0.10.2.dev20260603
libtpu: 0.0.44.dev20260713+nightly
codegen_flags: <defaults>
</compile_context>

<pallas_src>
import jax
import jax.numpy as jnp
from jax import lax
from jax.experimental import pallas as pl
from jax.experimental.pallas import tpu as pltpu
from jax.experimental.pallas import tpu_sc as plsc

_NE = 64
_TOK = 32768
_TOPK = 2
_NIDX = _TOK * _TOPK
_NW = 16
_PER_W = _NIDX // _NW
_CHUNKS = _PER_W // 16
_LW = 0.01


def _sc_hist_body(idx_hbm, out_hbm, idx_v, hist_v):
    wid = lax.axis_index("s")
    base = wid * _PER_W
    pltpu.sync_copy(idx_hbm.at[pl.ds(base, _PER_W)], idx_v)

    zeros16 = jnp.zeros((16,), jnp.float32)
    lane = lax.iota(jnp.int32, 16)
    ones16 = jnp.ones((16,), jnp.float32)

    def zbody(j, carry):
        hist_v[pl.ds(j * 16, 16)] = zeros16
        return carry

    lax.fori_loop(0, 16 * _NE // 16, zbody, 0)

    def body(i, carry):
        v = idx_v[pl.ds(i * 16, 16)]
        addr = lane * _NE + v
        plsc.addupdate_scatter(hist_v, (addr,), ones16)
        return carry

    lax.fori_loop(0, _CHUNKS, body, 0)

    pltpu.sync_copy(hist_v, out_hbm.at[pl.ds(wid * 16 * _NE, 16 * _NE)])


_sc_hist_cached = None


def _sc_hist(idx):
    global _sc_hist_cached
    if _sc_hist_cached is None:
        _sc_hist_cached = pl.kernel(
            _sc_hist_body,
            out_type=jax.ShapeDtypeStruct((_NW * 16 * _NE,), jnp.float32),
            mesh=plsc.VectorSubcoreMesh(core_axis_name="c", subcore_axis_name="s", num_cores=1),
            scratch_types=[
                pltpu.VMEM((_PER_W,), jnp.int32),
                pltpu.VMEM((16 * _NE,), jnp.float32),
            ],
            compiler_params=pltpu.CompilerParams(
                needs_layout_passes=False, use_tc_tiling_on_sc=False,
                skip_device_barrier=True),
        )
    return _sc_hist_cached(idx)


_BTOK = 8192
_GRID = _TOK // _BTOK


def _tc_partial_body(x_ref, out_ref, acc_ref):
    pid = pl.program_id(0)

    @pl.when(pid == 0)
    def _():
        acc_ref[...] = jnp.zeros_like(acc_ref)

    x = x_ref[...]
    e = jnp.exp(x)
    s = jnp.sum(e, axis=0, keepdims=True)
    p = e * (1.0 / s)
    t = p[:, 0:128]
    for k in range(1, _BTOK // 128):
        t = t + p[:, k * 128:(k + 1) * 128]
    acc_ref[...] += t

    @pl.when(pid == _GRID - 1)
    def _():
        out_ref[...] = acc_ref[...]


def _tc_partial(xt):
    return pl.pallas_call(
        _tc_partial_body,
        grid=(_GRID,),
        in_specs=[pl.BlockSpec((_NE, _BTOK), lambda i: (0, i))],
        out_specs=pl.BlockSpec((_NE, 128), lambda i: (0, 0)),
        out_shape=jax.ShapeDtypeStruct((_NE, 128), jnp.float32),
        scratch_shapes=[pltpu.VMEM((_NE, 128), jnp.float32)],
        compiler_params=pltpu.CompilerParams(
            dimension_semantics=("arbitrary",),
        ),
    )(xt)


def _combine_body(acc_ref, h_ref, out_ref):
    cp = jnp.sum(h_ref[...], axis=0, keepdims=True)
    counts = cp[:, :_NE] + cp[:, _NE:]
    pcol = jnp.sum(acc_ref[...], axis=1, keepdims=True)
    d = jax.lax.dot(counts, pcol,
                    precision=jax.lax.Precision.HIGHEST,
                    preferred_element_type=jnp.float32)
    x64 = d[0, 0] * (float(_NE) / (float(_TOK) * float(_NIDX))) - 1.0
    out_ref[0, 0] = jnp.maximum(x64, 0.0) * _LW


def _combine(acc, hist2):
    return pl.pallas_call(
        _combine_body,
        in_specs=[
            pl.BlockSpec((_NE, 128), lambda: (0, 0)),
            pl.BlockSpec((128, 128), lambda: (0, 0)),
        ],
        out_specs=pl.BlockSpec((1, 1), lambda: (0, 0),
                               memory_space=pltpu.SMEM),
        out_shape=jax.ShapeDtypeStruct((1, 1), jnp.float32),
    )(acc, hist2)


def kernel(router_logits, expert_indices):
    idx_flat = (expert_indices.astype(jnp.int32)
                .reshape(_TOK // 128, 128, _TOPK)
                .transpose(0, 2, 1)
                .reshape(-1))
    xt = router_logits.T
    hist = _sc_hist(idx_flat)
    acc = _tc_partial(xt)
    out = _combine(acc, hist.reshape(128, 128))
    return out.reshape(())

# --- scband reference (transcript-rebuilt; emitter-appended) ---
"""Pipeline reference for scband-load-balancing-loss-59751585022465 (READ-ONLY COPY).

The authoritative reference and input builder live on the scoring server;
editing this copy changes nothing except your own understanding.
"""

import jax, jax.numpy as jnp
import numpy as np

NUM_EXPERTS = 64
TOP_K = 2
LOSS_WEIGHT = 0.01
# NOTE: the torch module hard-codes self.z_loss_weight = 0 in __init__ regardless of the arg.
Z_LOSS_WEIGHT = 0.0
TOKENS = 32768


def setup_inputs(seed: int = 0) -> dict:
    key = jax.random.key(seed)
    k1, k2 = jax.random.split(key)
    router_logits = jax.random.normal(k1, (TOKENS, NUM_EXPERTS), dtype=jnp.float32)
    expert_indices = jax.random.randint(k2, (TOKENS, TOP_K), 0, NUM_EXPERTS).astype(jnp.int64)
    return {"router_logits": router_logits, "expert_indices": expert_indices}


def reference(router_logits, expert_indices):
    # Eval mode: step_count/warmup path is skipped (self.training == False)
    batch_size = router_logits.shape[0]
    K = NUM_EXPERTS  # ignore_bg_expert = False
    router_probs = jax.nn.softmax(router_logits, axis=-1)
    P_avg = router_probs.mean(axis=0)
    expert_indices_flat = expert_indices.reshape(-1)
    route_one_hot = jax.nn.one_hot(expert_indices_flat, NUM_EXPERTS, dtype=jnp.float32)
    total_selected = route_one_hot.sum(axis=0)
    total_selection_opportunities = batch_size * TOP_K
    f_avg = jax.lax.stop_gradient(total_selected / total_selection_opportunities)
    sum_Pf = (P_avg * f_avg).sum()
    balance_loss = jnp.maximum(K * sum_Pf - 1.0, 0.0) * LOSS_WEIGHT
    log_sum_exp = jax.scipy.special.logsumexp(router_logits, axis=1)
    z_loss = jnp.mean(log_sum_exp ** 2) * Z_LOSS_WEIGHT
    return balance_loss + z_loss

if __name__ == "__main__":
    import jax
    _d = setup_inputs()
    print(jax.jit(kernel)(*tuple(_d.values())))

</pallas_src>

<mosaic_0001>
#map = affine_map<(d0, d1) -> (0)>
module attributes {stable_mosaic.version = 14 : i64} {
  func.func @_sc_hist_body(%arg0: i32, %arg1: i32, %arg2: memref<65536xi32, #tpu.memory_space<hbm>>, %arg3: memref<16384xf32, #tpu.memory_space<hbm>>, %arg4: memref<4096xi32, #tpu.memory_space<vmem>>, %arg5: memref<1024xf32, #tpu.memory_space<vmem>>) attributes {dimension_semantics = [#tpu.dimension_semantics<core_parallel>, #tpu.dimension_semantics<subcore_parallel>], iteration_bounds = array<i64: 1, 16>, scalar_prefetch = 0 : i64, scratch_operands = 2 : i64, tpu.core_type = #tpu.core_type<sc_vector_subcore>, window_params = [{transform_indices = #map}, {transform_indices = #map}]} {
    %mul3A = arith.constant 4096 : i32
    %mul3A_0 = arith.muli %arg1, %mul3A : i32
    "tpu.region"() ({
      %run_scoped3A = tpu.sem_alloc : memref<!tpu.dma_semaphore, #tpu.memory_space<semaphore_mem>>
      %dma_start3A = tpu.memref_slice %arg2[%mul3A_0] : memref<65536xi32, #tpu.memory_space<hbm>> -> memref<4096xi32, #tpu.memory_space<hbm>>
      %dma_start3A_19 = tpu.memref_slice %arg2[%mul3A_0] : memref<65536xi32, #tpu.memory_space<hbm>> -> memref<4096xi32, #tpu.memory_space<hbm>>
      tpu.enqueue_dma source(%dma_start3A_19 : memref<4096xi32, #tpu.memory_space<hbm>>) target(%arg4 : memref<4096xi32, #tpu.memory_space<vmem>>) target_semaphore(%run_scoped3A : memref<!tpu.dma_semaphore, #tpu.memory_space<semaphore_mem>>)
      %dma_wait3A = tpu.memref_slice %arg2[%mul3A_0] : memref<65536xi32, #tpu.memory_space<hbm>> -> memref<4096xi32, #tpu.memory_space<hbm>>
      %dma_wait3A_20 = tpu.memref_slice %arg2[%mul3A_0] : memref<65536xi32, #tpu.memory_space<hbm>> -> memref<4096xi32, #tpu.memory_space<hbm>>
      tpu.wait_dma2 semaphore(%run_scoped3A : memref<!tpu.dma_semaphore, #tpu.memory_space<semaphore_mem>>) src(%dma_wait3A_20 : memref<4096xi32, #tpu.memory_space<hbm>>) dst(%arg4 : memref<4096xi32, #tpu.memory_space<vmem>>)
      tpu.yield
    }) : () -> ()
    %broadcast_in_dim3A = arith.constant 0.000000e+00 : f32
    %broadcast_in_dim3A_1 = vector.broadcast %broadcast_in_dim3A : f32 to vector<16xf32>
    %iota3A = tpu.iota {dimensions = array<i32: 0>} : vector<16xi32>
    %broadcast_in_dim3A_2 = arith.constant 1.000000e+00 : f32
    %broadcast_in_dim3A_3 = vector.broadcast %broadcast_in_dim3A_2 : f32 to vector<16xf32>
    %scan3A = arith.constant 0 : i32
    %scan3A_4 = arith.constant 0 : i32
    %scan3A_5 = arith.constant 64 : i32
    %scan3A_6 = arith.addi %scan3A_4, %scan3A_5 : i32
    %scan3A_7 = arith.constant 1 : i32
    scf.for %scan3A_19 = %scan3A_4 to %scan3A_6 step %scan3A_7  : i32 {
      %mul3A_20 = arith.constant 16 : i32
      %mul3A_21 = arith.muli %scan3A_19, %mul3A_20 : i32
      %swap3A = arith.index_cast %mul3A_21 : i32 to index
      %swap3A_22 = tpu.vector_load %arg5[%swap3A] {strides = array<i32>} : memref<1024xf32, #tpu.memory_space<vmem>>, vector<16xf32>,
      tpu.vector_store %arg5[%swap3A], %broadcast_in_dim3A_1 {strides = array<i32>} : memref<1024xf32, #tpu.memory_space<vmem>>, vector<16xf32>,
    }
    %scan3A_8 = arith.constant 64 : i32
    %scan3A_9 = arith.constant 0 : i32
    %scan3A_10 = arith.constant 0 : i32
    %scan3A_11 = arith.constant 256 : i32
    %scan3A_12 = arith.addi %scan3A_10, %scan3A_11 : i32
    %scan3A_13 = arith.constant 1 : i32
    scf.for %scan3A_19 = %scan3A_10 to %scan3A_12 step %scan3A_13  : i32 {
      %mul3A_20 = arith.constant 16 : i32
      %mul3A_21 = arith.muli %scan3A_19, %mul3A_20 : i32
      %get3A = arith.index_cast %mul3A_21 : i32 to index
      %get3A_22 = tpu.vector_load %arg4[%get3A] {strides = array<i32>} : memref<4096xi32, #tpu.memory_space<vmem>>, vector<16xi32>,
      %mul3A_23 = arith.constant 64 : i32
      %mul3A_24 = vector.broadcast %mul3A_23 : i32 to vector<16xi32>
      %mul3A_25 = arith.muli %iota3A, %mul3A_24 : vector<16xi32>
      %add3A = arith.addi %mul3A_25, %get3A_22 : vector<16xi32>
      tpu.vector_store_idx %arg5[%add3A], %broadcast_in_dim3A_3 {add = true} : memref<1024xf32, #tpu.memory_space<vmem>>[vector<16xi32>], vector<16xf32>,
    }
    %scan3A_14 = arith.constant 256 : i32
    %mul3A_15 = arith.constant 16 : i32
    %mul3A_16 = arith.muli %arg1, %mul3A_15 : i32
    %mul3A_17 = arith.constant 64 : i32
    %mul3A_18 = arith.muli %mul3A_16, %mul3A_17 : i32
    "tpu.region"() ({
      %run_scoped3A = tpu.sem_alloc : memref<!tpu.dma_semaphore, #tpu.memory_space<semaphore_mem>>
      %dma_start3A = tpu.memref_slice %arg3[%mul3A_18] : memref<16384xf32, #tpu.memory_space<hbm>> -> memref<1024xf32, #tpu.memory_space<hbm>>
      %dma_start3A_19 = tpu.memref_slice %arg3[%mul3A_18] : memref<16384xf32, #tpu.memory_space<hbm>> -> memref<1024xf32, #tpu.memory_space<hbm>>
      tpu.enqueue_dma source(%arg5 : memref<1024xf32, #tpu.memory_space<vmem>>) target(%dma_start3A_19 : memref<1024xf32, #tpu.memory_space<hbm>>) target_semaphore(%run_scoped3A : memref<!tpu.dma_semaphore, #tpu.memory_space<semaphore_mem>>)
      %dma_wait3A = tpu.memref_slice %arg3[%mul3A_18] : memref<16384xf32, #tpu.memory_space<hbm>> -> memref<1024xf32, #tpu.memory_space<hbm>>
      %dma_wait3A_20 = tpu.memref_slice %arg3[%mul3A_18] : memref<16384xf32, #tpu.memory_space<hbm>> -> memref<1024xf32, #tpu.memory_space<hbm>>
      tpu.wait_dma2 semaphore(%run_scoped3A : memref<!tpu.dma_semaphore, #tpu.memory_space<semaphore_mem>>) src(%arg5 : memref<1024xf32, #tpu.memory_space<vmem>>) dst(%dma_wait3A_20 : memref<1024xf32, #tpu.memory_space<hbm>>)
      tpu.yield
    }) : () -> ()
    return
  }
}

module attributes {stable_mosaic.version = 14 : i64} {
  func.func @_tc_partial_body(%arg0: i32, %arg1: memref<64x8192xf32, #tpu.memory_space<vmem>>, %arg2: memref<64x128xf32, #tpu.memory_space<vmem>>, %arg3: memref<64x128xf32, #tpu.memory_space<vmem>>) attributes {dimension_semantics = [#tpu.dimension_semantics<arbitrary>], iteration_bounds = array<i64: 4>, scalar_prefetch = 0 : i64, scratch_operands = 1 : i64, tpu.core_type = #tpu.core_type<tc>, window_params = [{transform_indices = @transform_0, window_bounds = array<i64: 64, 8192>}, {pipeline_mode = #tpu.pipeline_mode<synchronous>, transform_indices = @transform_1, window_bounds = array<i64: 64, 128>}]} {
    %eq3A = arith.constant 0 : i32
    %eq3A_0 = arith.cmpi eq, %arg0, %eq3A : i32
    %convert_element_type3A = arith.extui %eq3A_0 : i1 to i32
    %cond3A = arith.constant 0 : i32
    %cond3A_1 = arith.cmpi ne, %convert_element_type3A, %cond3A : i32
    scf.if %cond3A_1 {
      %broadcast_in_dim3A_144 = arith.constant 0.000000e+00 : f32
      %broadcast_in_dim3A_145 = vector.broadcast %broadcast_in_dim3A_144 : f32 to vector<64x128xf32>
      %swap3A_146 = arith.constant 0 : index
      %swap3A_147 = arith.constant 0 : index
      %swap3A_148 = vector.load %arg3[%swap3A_146, %swap3A_147] : memref<64x128xf32, #tpu.memory_space<vmem>>, vector<64x128xf32>
      tpu.vector_store %arg3[%swap3A_146, %swap3A_147], %broadcast_in_dim3A_145 {strides = array<i32>} : memref<64x128xf32, #tpu.memory_space<vmem>>, vector<64x128xf32>,
    } else {
    }
    %get3A = arith.constant 0 : index
    %get3A_2 = arith.constant 0 : index
    %get3A_3 = vector.load %arg1[%get3A, %get3A_2] : memref<64x8192xf32, #tpu.memory_space<vmem>>, vector<64x8192xf32>
    %exp3A = math.exp %get3A_3 : vector<64x8192xf32>
    %reduce_sum3A = arith.constant dense<0.000000e+00> : vector<8192xf32>
    %reduce_sum3A_4 = vector.multi_reduction <add>, %exp3A, %reduce_sum3A [0] : vector<64x8192xf32> to vector<8192xf32>
    %broadcast_in_dim3A = vector.shape_cast %reduce_sum3A_4 : vector<8192xf32> to vector<1x8192xf32>
    %div3A = arith.constant 1.000000e+00 : f32
    %div3A_5 = vector.broadcast %div3A : f32 to vector<1x8192xf32>
    %div3A_6 = arith.divf %div3A_5, %broadcast_in_dim3A : vector<1x8192xf32>
    %mul3A = vector.broadcast %div3A_6 : vector<1x8192xf32> to vector<64x8192xf32>
    %mul3A_7 = arith.mulf %exp3A, %mul3A : vector<64x8192xf32>
    %slice3A = vector.extract_strided_slice %mul3A_7 {offsets = [0, 0], sizes = [64, 128], strides = [1, 1]} : vector<64x8192xf32> to vector<64x128xf32>
    %slice3A_8 = vector.extract_strided_slice %mul3A_7 {offsets = [0, 128], sizes = [64, 128], strides = [1, 1]} : vector<64x8192xf32> to vector<64x128xf32>
    %add3A = arith.addf %slice3A, %slice3A_8 : vector<64x128xf32>
    %slice3A_9 = vector.extract_strided_slice %mul3A_7 {offsets = [0, 256], sizes = [64, 128], strides = [1, 1]} : vector<64x8192xf32> to vector<64x128xf32>
    %add3A_10 = arith.addf %add3A, %slice3A_9 : vector<64x128xf32>
    %slice3A_11 = vector.extract_strided_slice %mul3A_7 {offsets = [0, 384], sizes = [64, 128], strides = [1, 1]} : vector<64x8192xf32> to vector<64x128xf32>
    %add3A_12 = arith.addf %add3A_10, %slice3A_11 : vector<64x128xf32>
    %slice3A_13 = vector.extract_strided_slice %mul3A_7 {offsets = [0, 512], sizes = [64, 128], strides = [1, 1]} : vector<64x8192xf32> to vector<64x128xf32>
    %add3A_14 = arith.addf %add3A_12, %slice3A_13 : vector<64x128xf32>
    %slice3A_15 = vector.extract_strided_slice %mul3A_7 {offsets = [0, 640], sizes = [64, 128], strides = [1, 1]} : vector<64x8192xf32> to vector<64x128xf32>
    %add3A_16 = arith.addf %add3A_14, %slice3A_15 : vector<64x128xf32>
    %slice3A_17 = vector.extract_strided_slice %mul3A_7 {offsets = [0, 768], sizes = [64, 128], strides = [1, 1]} : vector<64x8192xf32> to vector<64x128xf32>
    %add3A_18 = arith.addf %add3A_16, %slice3A_17 : vector<64x128xf32>
    %slice3A_19 = vector.extract_strided_slice %mul3A_7 {offsets = [0, 896], sizes = [64, 128], strides = [1, 1]} : vector<64x8192xf32> to vector<64x128xf32>
    %add3A_20 = arith.addf %add3A_18, %slice3A_19 : vector<64x128xf32>
    %slice3A_21 = vector.extract_strided_slice %mul3A_7 {offsets = [0, 1024], sizes = [64, 128], strides = [1, 1]} : vector<64x8192xf32> to vector<64x128xf32>
    %add3A_22 = arith.addf %add3A_20, %slice3A_21 : vector<64x128xf32>
    %slice3A_23 = vector.extract_strided_slice %mul3A_7 {offsets = [0, 1152], sizes = [64, 128], strides = [1, 1]} : vector<64x8192xf32> to vector<64x128xf32>
    %add3A_24 = arith.addf %add3A_22, %slice3A_23 : vector<64x128xf32>
    %slice3A_25 = vector.extract_strided_slice %mul3A_7 {offsets = [0, 1280], sizes = [64, 128], strides = [1, 1]} : vector<64x8192xf32> to vector<64x128xf32>
    %add3A_26 = arith.addf %add3A_24, %slice3A_25 : vector<64x128xf32>
    %slice3A_27 = vector.extract_strided_slice %mul3A_7 {offsets = [0, 1408], sizes = [64, 128], strides = [1, 1]} : vector<64x8192xf32> to vector<64x128xf32>
    %add3A_28 = arith.addf %add3A_26, %slice3A_27 : vector<64x128xf32>
    %slice3A_29 = vector.extract_strided_slice %mul3A_7 {offsets = [0, 1536], sizes = [64, 128], strides = [1, 1]} : vector<64x8192xf32> to vector<64x128xf32>
    %add3A_30 = arith.addf %add3A_28, %slice3A_29 : vector<64x128xf32>
    %slice3A_31 = vector.extract_strided_slice %mul3A_7 {offsets = [0, 1664], sizes = [64, 128], strides = [1, 1]} : vector<64x8192xf32> to vector<64x128xf32>
    %add3A_32 = arith.addf %add3A_30, %slice3A_31 : vector<64x128xf32>
    %slice3A_33 = vector.extract_strided_slice %mul3A_7 {offsets = [0, 1792], sizes = [64, 128], strides = [1, 1]} : vector<64x8192xf32> to vector<64x128xf32>
    %add3A_34 = arith.addf %add3A_32, %slice3A_33 : vector<64x128xf32>
    %slice3A_35 = vector.extract_strided_slice %mul3A_7 {offsets = [0, 1920], sizes = [64, 128], strides = [1, 1]} : vector<64x8192xf32> to vector<64x128xf32>
    %add3A_36 = arith.addf %add3A_34, %slice3A_35 : vector<64x128xf32>
    %slice3A_37 = vector.extract_strided_slice %mul3A_7 {offsets = [0, 2048], sizes = [64, 128], strides = [1, 1]} : vector<64x8192xf32> to vector<64x128xf32>
    %add3A_38 = arith.addf %add3A_36, %slice3A_37 : vector<64x128xf32>
    %slice3A_39 = vector.extract_strided_slice %mul3A_7 {offsets = [0, 2176], sizes = [64, 128], strides = [1, 1]} : vector<64x8192xf32> to vector<64x128xf32>
    %add3A_40 = arith.addf %add3A_38, %slice3A_39 : vector<64x128xf32>
    %slice3A_41 = vector.extract_strided_slice %mul3A_7 {offsets = [0, 2304], sizes = [64, 128], strides = [1, 1]} : vector<64x8192xf32> to vector<64x128xf32>
    %add3A_42 = arith.addf %add3A_40, %slice3A_41 : vector<64x128xf32>
    %slice3A_43 = vector.extract_strided_slice %mul3A_7 {offsets = [0, 2432], sizes = [64, 128], strides = [1, 1]} : vector<64x8192xf32> to vector<64x128xf32>
    %add3A_44 = arith.addf %add3A_42, %slice3A_43 : vector<64x128xf32>
    %slice3A_45 = vector.extract_strided_slice %mul3A_7 {offsets = [0, 2560], sizes = [64, 128], strides = [1, 1]} : vector<64x8192xf32> to vector<64x128xf32>
    %add3A_46 = arith.addf %add3A_44, %slice3A_45 : vector<64x128xf32>
    %slice3A_47 = vector.extract_strided_slice %mul3A_7 {offsets = [0, 2688], sizes = [64, 128], strides = [1, 1]} : vector<64x8192xf32> to vector<64x128xf32>
    %add3A_48 = arith.addf %add3A_46, %slice3A_47 : vector<64x128xf32>
    %slice3A_49 = vector.extract_strided_slice %mul3A_7 {offsets = [0, 2816], sizes = [64, 128], strides = [1, 1]} : vector<64x8192xf32> to vector<64x128xf32>
    %add3A_50 = arith.addf %add3A_48, %slice3A_49 : vector<64x128xf32>
    %slice3A_51 = vector.extract_strided_slice %mul3A_7 {offsets = [0, 2944], sizes = [64, 128], strides = [1, 1]} : vector<64x8192xf32> to vector<64x128xf32>
    %add3A_52 = arith.addf %add3A_50, %slice3A_51 : vector<64x128xf32>
    %slice3A_53 = vector.extract_strided_slice %mul3A_7 {offsets = [0, 3072], sizes = [64, 128], strides = [1, 1]} : vector<64x8192xf32> to vector<64x128xf32>
    %add3A_54 = arith.addf %add3A_52, %slice3A_53 : vector<64x128xf32>
    %slice3A_55 = vector.extract_strided_slice %mul3A_7 {offsets = [0, 3200], sizes = [64, 128], strides = [1, 1]} : vector<64x8192xf32> to vector<64x128xf32>
    %add3A_56 = arith.addf %add3A_54, %slice3A_55 : vector<64x128xf32>
    %slice3A_57 = vector.extract_strided_slice %mul3A_7 {offsets = [0, 3328], sizes = [64, 128], strides = [1, 1]} : vector<64x8192xf32> to vector<64x128xf32>
    %add3A_58 = arith.addf %add3A_56, %slice3A_57 : vector<64x128xf32>
    %slice3A_59 = vector.extract_strided_slice %mul3A_7 {offsets = [0, 3456], sizes = [64, 128], strides = [1, 1]} : vector<64x8192xf32> to vector<64x128xf32>
    %add3A_60 = arith.addf %add3A_58, %slice3A_59 : vector<64x128xf32>
    %slice3A_61 = vector.extract_strided_slice %mul3A_7 {offsets = [0, 3584], sizes = [64, 128], strides = [1, 1]} : vector<64x8192xf32> to vector<64x128xf32>
    %add3A_62 = arith.addf %add3A_60, %slice3A_61 : vector<64x128xf32>
    %slice3A_63 = vector.extract_strided_slice %mul3A_7 {offsets = [0, 3712], sizes = [64, 128], strides = [1, 1]} : vector<64x8192xf32> to vector<64x128xf32>
    %add3A_64 = arith.addf %add3A_62, %slice3A_63 : vector<64x128xf32>
    %slice3A_65 = vector.extract_strided_slice %mul3A_7 {offsets = [0, 3840], sizes = [64, 128], strides = [1, 1]} : vector<64x8192xf32> to vector<64x128xf32>
    %add3A_66 = arith.addf %add3A_64, %slice3A_65 : vector<64x128xf32>
    %slice3A_67 = vector.extract_strided_slice %mul3A_7 {offsets = [0, 3968], sizes = [64, 128], strides = [1, 1]} : vector<64x8192xf32> to vector<64x128xf32>
    %add3A_68 = arith.addf %add3A_66, %slice3A_67 : vector<64x128xf32>
    %slice3A_69 = vector.extract_strided_slice %mul3A_7 {offsets = [0, 4096], sizes = [64, 128], strides = [1, 1]} : vector<64x8192xf32> to vector<64x128xf32>
    %add3A_70 = arith.addf %add3A_68, %slice3A_69 : vector<64x128xf32>
    %slice3A_71 = vector.extract_strided_slice %mul3A_7 {offsets = [0, 4224], sizes = [64, 128], strides = [1, 1]} : vector<64x8192xf32> to vector<64x128xf32>
    %add3A_72 = arith.addf %add3A_70, %slice3A_71 : vector<64x128xf32>
    %slice3A_73 = vector.extract_strided_slice %mul3A_7 {offsets = [0, 4352], sizes = [64, 128], strides = [1, 1]} : vector<64x8192xf32> to vector<64x128xf32>
    %add3A_74 = arith.addf %add3A_72, %slice3A_73 : vector<64x128xf32>
    %slice3A_75 = vector.extract_strided_slice %mul3A_7 {offsets = [0, 4480], sizes = [64, 128], strides = [1, 1]} : vector<64x8192xf32> to vector<64x128xf32>
    %add3A_76 = arith.addf %add3A_74, %slice3A_75 : vector<64x128xf32>
    %slice3A_77 = vector.extract_strided_slice %mul3A_7 {offsets = [0, 4608], sizes = [64, 128], strides = [1, 1]} : vector<64x8192xf32> to vector<64x128xf32>
    %add3A_78 = arith.addf %add3A_76, %slice3A_77 : vector<64x128xf32>
    %slice3A_79 = vector.extract_strided_slice %mul3A_7 {offsets = [0, 4736], sizes = [64, 128], strides = [1, 1]} : vector<64x8192xf32> to vector<64x128xf32>
    %add3A_80 = arith.addf %add3A_78, %slice3A_79 : vector<64x128xf32>
    %slice3A_81 = vector.extract_strided_slice %mul3A_7 {offsets = [0, 4864], sizes = [64, 128], strides = [1, 1]} : vector<64x8192xf32> to vector<64x128xf32>
    %add3A_82 = arith.addf %add3A_80, %slice3A_81 : vector<64x128xf32>
    %slice3A_83 = vector.extract_strided_slice %mul3A_7 {offsets = [0, 4992], sizes = [64, 128], strides = [1, 1]} : vector<64x8192xf32> to vector<64x128xf32>
    %add3A_84 = arith.addf %add3A_82, %slice3A_83 : vector<64x128xf32>
    %slice3A_85 = vector.extract_strided_slice %mul3A_7 {offsets = [0, 5120], sizes = [64, 128], strides = [1, 1]} : vector<64x8192xf32> to vector<64x128xf32>
    %add3A_86 = arith.addf %add3A_84, %slice3A_85 : vector<64x128xf32>
    %slice3A_87 = vector.extract_strided_slice %mul3A_7 {offsets = [0, 5248], sizes = [64, 128], strides = [1, 1]} : vector<64x8192xf32> to vector<64x128xf32>
    %add3A_88 = arith.addf %add3A_86, %slice3A_87 : vector<64x128xf32>
    %slice3A_89 = vector.extract_strided_slice %mul3A_7 {offsets = [0, 5376], sizes = [64, 128], strides = [1, 1]} : vector<64x8192xf32> to vector<64x128xf32>
    %add3A_90 = arith.addf %add3A_88, %slice3A_89 : vector<64x128xf32>
    %slice3A_91 = vector.extract_strided_slice %mul3A_7 {offsets = [0, 5504], sizes = [64, 128], strides = [1, 1]} : vector<64x8192xf32> to vector<64x128xf32>
    %add3A_92 = arith.addf %add3A_90, %slice3A_91 : vector<64x128xf32>
    %slice3A_93 = vector.extract_strided_slice %mul3A_7 {offsets = [0, 5632], sizes = [64, 128], strides = [1, 1]} : vector<64x8192xf32> to vector<64x128xf32>
    %add3A_94 = arith.addf %add3A_92, %slice3A_93 : vector<64x128xf32>
    %slice3A_95 = vector.extract_strided_slice %mul3A_7 {offsets = [0, 5760], sizes = [64, 128], strides = [1, 1]} : vector<64x8192xf32> to vector<64x128xf32>
    %add3A_96 = arith.addf %add3A_94, %slice3A_95 : vector<64x128xf32>
    %slice3A_97 = vector.extract_strided_slice %mul3A_7 {offsets = [0, 5888], sizes = [64, 128], strides = [1, 1]} : vector<64x8192xf32> to vector<64x128xf32>
    %add3A_98 = arith.addf %add3A_96, %slice3A_97 : vector<64x128xf32>
    %slice3A_99 = vector.extract_strided_slice %mul3A_7 {offsets = [0, 6016], sizes = [64, 128], strides = [1, 1]} : vector<64x8192xf32> to vector<64x128xf32>
    %add3A_100 = arith.addf %add3A_98, %slice3A_99 : vector<64x128xf32>
    %slice3A_101 = vector.extract_strided_slice %mul3A_7 {offsets = [0, 6144], sizes = [64, 128], strides = [1, 1]} : vector<64x8192xf32> to vector<64x128xf32>
    %add3A_102 = arith.addf %add3A_100, %slice3A_101 : vector<64x128xf32>
    %slice3A_103 = vector.extract_strided_slice %mul3A_7 {offsets = [0, 6272], sizes = [64, 128], strides = [1, 1]} : vector<64x8192xf32> to vector<64x128xf32>
    %add3A_104 = arith.addf %add3A_102, %slice3A_103 : vector<64x128xf32>
    %slice3A_105 = vector.extract_strided_slice %mul3A_7 {offsets = [0, 6400], sizes = [64, 128], strides = [1, 1]} : vector<64x8192xf32> to vector<64x128xf32>
    %add3A_106 = arith.addf %add3A_104, %slice3A_105 : vector<64x128xf32>
    %slice3A_107 = vector.extract_strided_slice %mul3A_7 {offsets = [0, 6528], sizes = [64, 128], strides = [1, 1]} : vector<64x8192xf32> to vector<64x128xf32>
    %add3A_108 = arith.addf %add3A_106, %slice3A_107 : vector<64x128xf32>
    %slice3A_109 = vector.extract_strided_slice %mul3A_7 {offsets = [0, 6656], sizes = [64, 128], strides = [1, 1]} : vector<64x8192xf32> to vector<64x128xf32>
    %add3A_110 = arith.addf %add3A_108, %slice3A_109 : vector<64x128xf32>
    %slice3A_111 = vector.extract_strided_slice %mul3A_7 {offsets = [0, 6784], sizes = [64, 128], strides = [1, 1]} : vector<64x8192xf32> to vector<64x128xf32>
    %add3A_112 = arith.addf %add3A_110, %slice3A_111 : vector<64x128xf32>
    %slice3A_113 = vector.extract_strided_slice %mul3A_7 {offsets = [0, 6912], sizes = [64, 128], strides = [1, 1]} : vector<64x8192xf32> to vector<64x128xf32>
    %add3A_114 = arith.addf %add3A_112, %slice3A_113 : vector<64x128xf32>
    %slice3A_115 = vector.extract_strided_slice %mul3A_7 {offsets = [0, 7040], sizes = [64, 128], strides = [1, 1]} : vector<64x8192xf32> to vector<64x128xf32>
    %add3A_116 = arith.addf %add3A_114, %slice3A_115 : vector<64x128xf32>
    %slice3A_117 = vector.extract_strided_slice %mul3A_7 {offsets = [0, 7168], sizes = [64, 128], strides = [1, 1]} : vector<64x8192xf32> to vector<64x128xf32>
    %add3A_118 = arith.addf %add3A_116, %slice3A_117 : vector<64x128xf32>
    %slice3A_119 = vector.extract_strided_slice %mul3A_7 {offsets = [0, 7296], sizes = [64, 128], strides = [1, 1]} : vector<64x8192xf32> to vector<64x128xf32>
    %add3A_120 = arith.addf %add3A_118, %slice3A_119 : vector<64x128xf32>
    %slice3A_121 = vector.extract_strided_slice %mul3A_7 {offsets = [0, 7424], sizes = [64, 128], strides = [1, 1]} : vector<64x8192xf32> to vector<64x128xf32>
    %add3A_122 = arith.addf %add3A_120, %slice3A_121 : vector<64x128xf32>
    %slice3A_123 = vector.extract_strided_slice %mul3A_7 {offsets = [0, 7552], sizes = [64, 128], strides = [1, 1]} : vector<64x8192xf32> to vector<64x128xf32>
    %add3A_124 = arith.addf %add3A_122, %slice3A_123 : vector<64x128xf32>
    %slice3A_125 = vector.extract_strided_slice %mul3A_7 {offsets = [0, 7680], sizes = [64, 128], strides = [1, 1]} : vector<64x8192xf32> to vector<64x128xf32>
    %add3A_126 = arith.addf %add3A_124, %slice3A_125 : vector<64x128xf32>
    %slice3A_127 = vector.extract_strided_slice %mul3A_7 {offsets = [0, 7808], sizes = [64, 128], strides = [1, 1]} : vector<64x8192xf32> to vector<64x128xf32>
    %add3A_128 = arith.addf %add3A_126, %slice3A_127 : vector<64x128xf32>
    %slice3A_129 = vector.extract_strided_slice %mul3A_7 {offsets = [0, 7936], sizes = [64, 128], strides = [1, 1]} : vector<64x8192xf32> to vector<64x128xf32>
    %add3A_130 = arith.addf %add3A_128, %slice3A_129 : vector<64x128xf32>
    %slice3A_131 = vector.extract_strided_slice %mul3A_7 {offsets = [0, 8064], sizes = [64, 128], strides = [1, 1]} : vector<64x8192xf32> to vector<64x128xf32>
    %add3A_132 = arith.addf %add3A_130, %slice3A_131 : vector<64x128xf32>
    %get3A_133 = arith.constant 0 : index
    %get3A_134 = arith.constant 0 : index
    %get3A_135 = vector.load %arg3[%get3A_133, %get3A_134] : memref<64x128xf32, #tpu.memory_space<vmem>>, vector<64x128xf32>
    %add3A_136 = arith.addf %get3A_135, %add3A_132 : vector<64x128xf32>
    %swap3A = arith.constant 0 : index
    %swap3A_137 = arith.constant 0 : index
    %swap3A_138 = vector.load %arg3[%swap3A, %swap3A_137] : memref<64x128xf32, #tpu.memory_space<vmem>>, vector<64x128xf32>
    tpu.vector_store %arg3[%swap3A, %swap3A_137], %add3A_136 {strides = array<i32>} : memref<64x128xf32, #tpu.memory_space<vmem>>, vector<64x128xf32>,
    %eq3A_139 = arith.constant 3 : i32
    %eq3A_140 = arith.cmpi eq, %arg0, %eq3A_139 : i32
    %convert_element_type3A_141 = arith.extui %eq3A_140 : i1 to i32
    %cond3A_142 = arith.constant 0 : i32
    %cond3A_143 = arith.cmpi ne, %convert_element_type3A_141, %cond3A_142 : i32
    scf.if %cond3A_143 {
      %get3A_144 = arith.constant 0 : index
      %get3A_145 = arith.constant 0 : index
      %get3A_146 = vector.load %arg3[%get3A_144, %get3A_145] : memref<64x128xf32, #tpu.memory_space<vmem>>, vector<64x128xf32>
      %swap3A_147 = arith.constant 0 : index
      %swap3A_148 = arith.constant 0 : index
      %swap3A_149 = vector.load %arg2[%swap3A_147, %swap3A_148] : memref<64x128xf32, #tpu.memory_space<vmem>>, vector<64x128xf32>
      tpu.vector_store %arg2[%swap3A_147, %swap3A_148], %get3A_146 {strides = array<i32>} : memref<64x128xf32, #tpu.memory_space<vmem>>, vector<64x128xf32>,
    } else {
    }
    return
  }
  func.func @transform_0(%arg0: i32) -> (i32, i32) {
    %c0_i32 = arith.constant 0 : i32
    %c0_i32_0 = arith.constant 0 : i32
    return %c0_i32, %arg0 : i32, i32
  }
  func.func @transform_1(%arg0: i32) -> (i32, i32) {
    %c0_i32 = arith.constant 0 : i32
    %c0_i32_0 = arith.constant 0 : i32
    %c0_i32_1 = arith.constant 0 : i32
    return %c0_i32, %c0_i32_0 : i32, i32
  }
}

module attributes {stable_mosaic.version = 14 : i64} {
  func.func @_combine_body(%arg0: memref<64x128xf32, #tpu.memory_space<vmem>>, %arg1: memref<128x128xf32, #tpu.memory_space<vmem>>, %arg2: memref<1x1xf32, #tpu.memory_space<smem>>) attributes {dimension_semantics = [], scalar_prefetch = 0 : i64, scratch_operands = 0 : i64, tpu.core_type = #tpu.core_type<tc>} {
    %get3A = arith.constant 0 : index
    %get3A_0 = arith.constant 0 : index
    %get3A_1 = vector.load %arg1[%get3A, %get3A_0] : memref<128x128xf32, #tpu.memory_space<vmem>>, vector<128x128xf32>
    %reduce_sum3A = arith.constant dense<0.000000e+00> : vector<128xf32>
    %reduce_sum3A_2 = vector.multi_reduction <add>, %get3A_1, %reduce_sum3A [0] : vector<128x128xf32> to vector<128xf32>
    %broadcast_in_dim3A = vector.shape_cast %reduce_sum3A_2 : vector<128xf32> to vector<1x128xf32>
    %slice3A = vector.extract_strided_slice %broadcast_in_dim3A {offsets = [0, 0], sizes = [1, 64], strides = [1, 1]} : vector<1x128xf32> to vector<1x64xf32>
    %slice3A_3 = vector.extract_strided_slice %broadcast_in_dim3A {offsets = [0, 64], sizes = [1, 64], strides = [1, 1]} : vector<1x128xf32> to vector<1x64xf32>
    %add3A = arith.addf %slice3A, %slice3A_3 : vector<1x64xf32>
    %get3A_4 = arith.constant 0 : index
    %get3A_5 = arith.constant 0 : index
    %get3A_6 = vector.load %arg0[%get3A_4, %get3A_5] : memref<64x128xf32, #tpu.memory_space<vmem>>, vector<64x128xf32>
    %reduce_sum3A_7 = arith.constant dense<0.000000e+00> : vector<64xf32>
    %reduce_sum3A_8 = vector.multi_reduction <add>, %get3A_6, %reduce_sum3A_7 [1] : vector<64x128xf32> to vector<64xf32>
    %broadcast_in_dim3A_9 = vector.shape_cast %reduce_sum3A_8 : vector<64xf32> to vector<64x1xf32>
    %dot_general3A = arith.constant dense<0.000000e+00> : vector<1x1xf32>
    %dot_general3A_10 = tpu.matmul %add3A, %broadcast_in_dim3A_9, %dot_general3A {dimension_numbers = #tpu.dot_dimension_numbers<[1], [0], [0], [1], [0, 0, 1, 1], [], []>, precision = #tpu.contract_precision<fp32>, transpose_lhs_hint = false} : vector<1x64xf32>, vector<64x1xf32>, vector<1x1xf32> -> vector<1x1xf32>
    %squeeze3A = vector.extract %dot_general3A_10[0, 0] : f32 from vector<1x1xf32>
    %mul3A = arith.constant 2.98023224E-8 : f32
    %mul3A_11 = arith.mulf %squeeze3A, %mul3A : f32
    %sub3A = arith.constant 1.000000e+00 : f32
    %sub3A_12 = arith.subf %mul3A_11, %sub3A : f32
    %max3A = arith.constant 0.000000e+00 : f32
    %max3A_13 = arith.maximumf %sub3A_12, %max3A : f32
    %mul3A_14 = arith.constant 0.00999999977 : f32
    %mul3A_15 = arith.mulf %max3A_13, %mul3A_14 : f32
    %swap3A = arith.constant 0 : index
    %swap3A_16 = arith.constant 0 : index
    %swap3A_17 = memref.load %arg2[%swap3A, %swap3A_16] : memref<1x1xf32, #tpu.memory_space<smem>>
    memref.store %mul3A_15, %arg2[%swap3A, %swap3A_16] : memref<1x1xf32, #tpu.memory_space<smem>>
    return
  }
}

</mosaic_0001>

<sc_bundles>
// kernel: kernel.5.cloned.1.call-start
scs
__scs_entry_jumppad:
0x0: {  	(pc) =	sbr.rel $0x88, $3  }
0x1: {  	(tag) =	ssettag $0x0;
	lr =	simm.s32 $0x1  }
0x2: {  	[smem:$0x3F9F] =	sst lr;
	_ =	strace $0xD0000000  }
0x3: {  	_ = 	snop  }
0x4: {  	_ = 	snop  }
0x5: {  	_ = 	snop  }
0x6: {  	_ = 	snop  }
0x7: {  	_ = 	snop  }
__scs_overlays_trampoline_lowered:
0x8: {  	[smem:$0x3FAE] =	sst s0  }
0x9: {  	[smem:$0x3FAF] =	sst s1  }
0xa: {  	[smem:$0x3FB0] =	sst s2  }
0xb: {  	[smem:$0x3FB1] =	sst s3  }
0xc: {  	[smem:$0x3FB2] =	sst s4  }
0xd: {  	[smem:$0x3FB3] =	sst s5  }
0xe: {  	[smem:$0x3FB4] =	sst s6  }
0xf: {  	[smem:$0x3FB5] =	sst s7  }
0x10: {  	[smem:$0x3FB6] =	sst s8  }
0x11: {  	[smem:$0x3FB7] =	sst s9;
	s0 =	simm.s32 @!p0 $0x0  }
0x12: {  	s1 =	sld [smem:$0x3F9D];
	s0 =	simm.s32 @p0 $0x1  }
0x13: {  	[smem:$0x3FB8] =	sst s0;
	s0 =	simm.s32 @!p1 $0x0  }
0x14: {  	s2 =	sld [smem:$0x3F9C];
	s0 =	simm.s32 @p1 $0x1  }
0x15: {  	[smem:$0x3FB9] =	sst s0;
	s0 =	simm.s32 @!p2 $0x0  }
0x16: {  	s3 =	sld [smem:$0x3FDB];
	s0 =	simm.s32 @p2 $0x1  }
0x17: {  	s4 =	simm.s32 $0x1BF5;
	[smem:$0x3FBB] =	sst s0  }
0x18: {  	s0 =	sld [smem:$0x3F9E];
	_ =	swait.ge [sflag:s4], $0x0  }
0x19: {  	s7 =	sld [smem:$0x3F9F]  }
0x1a: {  	s8 =	sadd.s32 $0xFFFFE003, lr  }
0x1b: {  	s9 =	sadd.s32 $0xFFFFFEF7, lr;
	s5 =	simm.s32 $0xFFFFFFFF;
	p2 =	slt.u32 s8, $0xFFFFF086  }
0x1c: {  	p1 =	slt.u32 s9, $0xF7A;
	s5 =	simm.s32 @!p2 $0x0  }
0x1d: {  	s5 =	simm.s32 @p1 $0x1;
	p0 =	seq.s32 s7, s2  }
0x1e: {  	s7 =	smul.u32 @!p0 $0xF7A, s2;
	p2 =	seq.s32 @!p0 s5, $0x0  }
0x1f: {  	s9 =	smul.u32 $0xF7A, s1;
	s8 =	simm.s32 @!p0 $0x1BF5;
	p2 =	por !p2, p0  }
0x20: {  	[sflag:s8] =	ssyncset.s32 @!p0 $0xFFFFF086;
	s6 =	sadd.s32 @!p0 s3, s7;
	s7 =	simm.s32 @!p0 $0x108  }
0x21: {  	s3 =	sadd.s32 s3, s9;
	s6 =	sadd.s32 @!p0 $0x88, s6;
	s7 =	simm.s32 @p2 $0x1082  }
0x22: {  	[simem:s7], [sflag:s8] =	dma.local @!p0 [hbm:s6], $0xF7A  }
0x23: {  	s9 =	sor.u32 $0xD0000000, s2;
	s6 =	simm.s32 $0x108;
	_ =	swait.ge @!p0 [sflag:s8], $0x0  }
0x24: {  	s3 =	sadd.s32 $0x88, s3;
	s6 =	simm.s32 @!p1 $0x1082;
	[sflag:s4] =	ssyncset.s32 $0xFFFFF086  }
0x25: {  	[simem:s6], [sflag:s4] =	dma.local [hbm:s3], $0xF7A  }
0x26: {  	[smem:$0x3F9F] =	sst s1;
	(tag) =	ssettag s2;
	_ =	strace s9  }
0x27: {  	s1 =	sld [smem:$0x3FAF]  }
0x28: {  	s2 =	sld [smem:$0x3FB0]  }
0x29: {  	s4 =	sld [smem:$0x3FB2]  }
0x2a: {  	p0 =	seq.s32 s5, $0x0;
	s5 =	sld [smem:$0x3FB3]  }
0x2b: {  	s6 =	sld [smem:$0x3FB4]  }
0x2c: {  	s7 =	sld [smem:$0x3FB5]  }
0x2d: {  	s3 =	simm.s32 $0x108;
	s8 =	sld [smem:$0x3FB6]  }
0x2e: {  	s3 =	simm.s32 @!p0 $0x1082;
	s9 =	sld [smem:$0x3FB7]  }
0x2f: {  	lr =	sadd.s32 s0, s3;
	s0 =	sld [smem:$0x3FAE]  }
0x30: {  	s3 =	sld [smem:$0x3FB1]  }
0x31: {  	[smem:$0x3FBA] =	sst s10  }
0x32: {  	s10 =	sld [smem:$0x3FB8];
	_ =	sdelay $0x3  }
0x33: {  	p0 =	seq.s32 s10, $0x1;
	s10 =	sld [smem:$0x3FBA];
	_ =	sdelay $0x3  }
0x34: {  	[smem:$0x3FBA] =	sst s10  }
0x35: {  	s10 =	sld [smem:$0x3FB9];
	_ =	sdelay $0x3  }
0x36: {  	p1 =	seq.s32 s10, $0x1;
	s10 =	sld [smem:$0x3FBA];
	_ =	sdelay $0x3  }
0x37: {  	[smem:$0x3FBA] =	sst s10  }
0x38: {  	s10 =	sld [smem:$0x3FBB]  }
0x39: {  	_ = 	snop;
	(pc) =	sbr.ind lr, $3  }
0x3a: {  	_ = 	snop  }
0x3b: {  	_ = 	snop  }
0x3c: {  	p2 =	seq.s32 s10, $0x1;
	s10 =	sld [smem:$0x3FBA]  }
0x3d: {  	_ =	shalt  }
0x3e: {  	_ =	shalt  }
0x3f: {  	_ =	shalt  }
0x40: {  	_ =	shalt  }
0x41: {  	_ =	shalt  }
0x42: {  	_ =	shalt  }
0x43: {  	_ =	shalt  }
0x44: {  	_ =	shalt  }
0x45: {  	_ =	shalt  }
0x46: {  	_ =	shalt  }
0x47: {  	_ =	shalt  }
0x48: {  	_ =	shalt  }
0x49: {  	_ =	shalt  }
0x4a: {  	_ =	shalt  }
0x4b: {  	_ =	shalt  }
0x4c: {  	_ =	shalt  }
0x4d: {  	_ =	shalt  }
0x4e: {  	_ =	shalt  }
0x4f: {  	_ =	shalt  }
0x50: {  	_ =	shalt  }
0x51: {  	_ =	shalt  }
0x52: {  	_ =	shalt  }
0x53: {  	_ =	shalt  }
0x54: {  	_ =	shalt  }
0x55: {  	_ =	shalt  }
0x56: {  	_ =	shalt  }
0x57: {  	_ =	shalt  }
0x58: {  	_ =	shalt  }
0x59: {  	_ =	shalt  }
0x5a: {  	_ =	shalt  }
0x5b: {  	_ =	shalt  }
0x5c: {  	_ =	shalt  }
0x5d: {  	_ =	shalt  }
0x5e: {  	_ =	shalt  }
0x5f: {  	_ =	shalt  }
0x60: {  	_ =	shalt  }
0x61: {  	_ =	shalt  }
0x62: {  	_ =	shalt  }
0x63: {  	_ =	shalt  }
0x64: {  	_ =	shalt  }
0x65: {  	_ =	shalt  }
0x66: {  	_ =	shalt  }
0x67: {  	_ =	shalt  }
0x68: {  	_ =	shalt  }
0x69: {  	_ =	shalt  }
0x6a: {  	_ =	shalt  }
0x6b: {  	_ =	shalt  }
0x6c: {  	_ =	shalt  }
0x6d: {  	_ =	shalt  }
0x6e: {  	_ =	shalt  }
0x6f: {  	_ =	shalt  }
0x70: {  	_ =	shalt  }
0x71: {  	_ =	shalt  }
0x72: {  	_ =	shalt  }
0x73: {  	_ =	shalt  }
0x74: {  	_ =	shalt  }
0x75: {  	_ =	shalt  }
0x76: {  	_ =	shalt  }
0x77: {  	_ =	shalt  }
0x78: {  	_ =	shalt  }
0x79: {  	_ =	shalt  }
0x7a: {  	_ =	shalt  }
0x7b: {  	_ =	shalt  }
0x7c: {  	_ =	shalt  }
0x7d: {  	_ =	shalt  }
0x7e: {  	_ =	shalt  }
0x7f: {  	_ =	shalt  }
0x80: {  	_ =	shalt  }
0x81: {  	_ =	shalt  }
0x82: {  	_ =	shalt  }
0x83: {  	_ =	shalt  }
0x84: {  	_ =	shalt  }
0x85: {  	_ =	shalt  }
0x86: {  	_ =	shalt  }
0x87: {  	_ =	shalt  }
.Lfunc_end0:
.L_simem_size_0:
called_computation_lowered:
.L_overlay_start_0:
0x88: {  	s0 =	sld [smem:$0x3FD9]  }
0x89: {  	s1 =	sld [smem:$0x3FFE];
	_ =	sdelay $0x3  }
0x8a: {  	s0 =	sadd.s32 s1, s0  }
0x8b: {  	[smem:$0x3FC6] =	sst s0  }
0x8c: {  	_ = 	snop  }
0x8d: {  	s0 =	sld [smem:$0x3FC8];
	(tm) =	ssettm $0x1  }
0x8e: {  	s16 =	sld [smem:$0x3FFB];
	_ =	sdelay $0x3  }
0x8f: {  	_ =	strace s16  }
0x90: {  	s1 =	sld [smem:$0x3FFC];
	_ =	sdelay $0x3  }
0x91: {  	_ =	strace s1  }
0x92: {  	s1 =	sld [smem:$0x3FFD];
	_ =	sdelay $0x3  }
0x93: {  	_ =	strace s1  }
0x94: {  	_ =	strace $0x8FFFFFFF  }
0x95: {  	s17 =	sld [smem:$0x3FDB];
	_ =	sdelay $0x1  }
0x96: {  	s2 =	simm.s32 $_scs_section_size  }
0x97: {  	s3 =	simm.s32 $_size__tile_overlayer_lowered;
	s4 =	simm.s32 $_tile_overlayer_lowered  }
0x98: {  	s20 =	simm.s32 $0x1BFF;
	s19 =	sshll.u32 s4, $0x1;
	s1 =	sadd.s32 s2, s17  }
0x99: {  	s5 =	simm.s32 $0x0;
	s18 =	sshll.u32 s3, $0x1;
	s3 =	sadd.s32 s19, s1  }
0x9a: {  	[timem:s5], [sflag:s20] =	dma.local [hbm:s3], s18  }
0x9b: {  	_ =	swait.ge [sflag:s20], s18  }
0x9c: {  	s2 =	ssub.s32 $0x0, s18;
	[sflag:s20] =	ssyncset.done $0x0  }
0x9d: {  	[sflag:s20] =	ssyncadd.s32 s2;
	_ =	sdelay $0x1  }
0x9e: {  	s21 =	simm.s32 $0x1B8B  }
0x9f: {  	_ =	swait.ge [sflag:s21], $0x1  }
0xa0: {  	[sflag:s21] =	ssyncset.done $0x0  }
0xa1: {  	s23 =	simm.s32 $0x1B8E;
	s22 =	sld [smem:$0x3FFE];
	[sflag:s21] =	ssyncadd.s32 $0xFFFFFFFF  }
0xa2: {  	s24 =	simm.s32 $execute0_lowered;
	[smem:$0x3FD2] =	sst s23  }
0xa3: {  	s3 =	sshll.u32 s24, $0x1;
	_ =	strace $0x80000046;
	[dreg:$0x1] =	wrdreg $0xFFFFFFFF  }
0xa4: {  	s25 =	simm.s32 $_size_execute0_lowered;
	s1 =	sadd.s32 s1, s3;
	[dreg:$0x0] =	wrdreg $0x0  }
0xa5: {  	s3 =	sshll.u32 s25, $0x1;
	[dreg:$0x2] =	wrdreg s1  }
0xa6: {  	[dreg:$0x3] =	wrdreg s3  }
0xa7: {  	[dreg:$0x4] =	wrdreg $0xC0  }
0xa8: {  	_ =	task [dreg:s5], $0x5FFFF  }
0xa9: {  	[dreg:$0x1] =	wrdreg $0xFFFFFFFF  }
0xaa: {  	[dreg:$0x0] =	wrdreg $0x60  }
0xab: {  	[dreg:$0x2] =	wrdreg s0  }
0xac: {  	[dreg:$0x3] =	wrdreg s22  }
0xad: {  	[dreg:$0x4] =	wrdreg $0x9  }
0xae: {  	_ =	task.clear_ibuf [dreg:s5], $0x5FFFF;
	_ =	strace $0x90000046  }
0xaf: {  	s26 =	simm.s32 $0x9;
	_ =	strace $0x80000048  }
0xb0: {  	_ =	swait.ge [sflag:s26], $0x1  }
0xb1: {  	[sflag:s26] =	ssyncadd.s32 $0xFFFFFFFF  }
0xb2: {  	_ =	strace $0x90000048  }
0xb3: {  	_ =	sfence  }
0xb4: {  	s28 =	sld [smem:$0x0];
	_ =	sdelay $0x1  }
0xb5: {  	s29 =	srdreg.scid  }
0xb6: {  	s30 =	sshll.u32 s29, $0xD;
	s31 =	sshrl.u32 s29, $0x2  }
0xb7: {  	s2 =	sand.u32 $0x4000, s30;
	s1 =	sand.u32 $0x1, s29;
	s0 =	sadd.s32 s31, s28  }
0xb8: {  	s1 =	sor.u32 s2, s1;
	s0 =	sshll.u32 s0, $0x11  }
0xb9: {  	s0 =	sor.u32 s0, s1  }
0xba: {  	s0 =	sadd.s32 $0x8F2B, s0  }
0xbb: {  	[sflag:s0] =	ssyncadd.remote.s32 $0x1  }
0xbc: {  	_ =	sfence.sel $0xFFFF  }
0xbd: {  	[dreg:$0x0] =	wrdreg $0xFFFFFFFF;
	(pc) =	sbr.abs _section_cstart, $3  }
0xbe: {  	[dreg:$0x1] =	wrdreg $0xFFFFFFFF  }
0xbf: {  	_ =	task.clear_ibuf [dreg:s5], $0x2FFFF;
	_ =	strace $0x9FFFFFFF  }
0xc0: {  	(tm) =	ssettm $0x7FFFFFFF  }
0xc1: {  	_ =	shalt  }
tec
execute0_lowered:
.L_overlay_start_1:
0x0: {  	(tag) =	ssettag $0x1  }
0x1: {  	s2 =	rddreg [dreg:$0x0]  }
0x2: {  	s4 =	rddreg [dreg:$0x1]  }
0x3: {  	s0 =	rddreg [dreg:$0x2];
	s3 =	simm.s32 $0x0;
	s1 =	stileid.u32  }
0x4: {  	[smem:$0x7FF] =	sst s3;
	s5 =	sshll.u32 s1, $0x9  }
0x5: {  	s31 =	simm.s32 $0x1;
	_ =	strace $0x80000047;
	s2 =	sadd.s32 s2, s5  }
0x6: {  	[tilespmem:s3], [sflag:$0x1] =	stream.linear.gather [hbm4b:s2+s3], $0x1000, $0x38;
	[tilespmem:$0x1400] =	vst v63  }
0x7: {  	_ =	swait.ge [sflag:s31], $0x1000  }
0x8: {  	[sflag:s31] =	ssyncset.done $0x0  }
0x9: {  	v0 =	vimm.f32 $0.0e+00;
	s2 =	sadd.s32 $0x800, s4;
	[sflag:s31] =	ssyncadd.s32 $0xFFFFF000  }
.LBB2_1:
0xa: {  	p0 =	sne.s32 s3, $0xFC0  }
.Ltmp0:
0xb: {  	_ = 	snop;
	(pc) =	sbr.rel @p0 .LBB2_1-.Ltmp0, $3  }
0xc: {  	_ =	sdelay $0x1  }
0xd: {  	s4 =	sshra.s32 s3, $0x2  }
0xe: {  	s3 =	sadd.s32 $0x40, s3;
	[tilespmem:s4+$0x1000] =	vst v0  }
0xf: {  	v0 =	vlaneseq.u32  }
0x10: {  	s3 =	simm.s32 $0x1000;
	s5 =	simm.s32 $0x0;
	s4 =	simm.s32 $0x40;
	v1 =	vmul.u32 $0x40, v0;
	v0 =	vimm.f32 $1.000000000e+00  }
.LBB2_3:
0x11: {  	p0 =	sne.s32 s4, $0x3FC0;
	v2 =	vld [tilespmem:s5+$0x0];
	_ =	sdelay $0x4  }
0x12: {  	v2 =	vadd.s32 v1, v2  }
.Ltmp1:
0x13: {  	(pc) =	sbr.rel @p0 .LBB2_3-.Ltmp1, $2  }
0x14: {  	_ =	sdelay $0x2  }
0x15: {  	s5 =	sshra.s32 s4, $0x2;
	s4 =	sadd.s32 $0x40, s4;
	[tilespmem:v2+s3+$0x0] =	vst.idx.add.f32.msk $0xffff, v0  }
0x16: {  	v2 =	vld [tilespmem:s5+$0x0];
	_ =	sdelay $0x4  }
0x17: {  	v1 =	vadd.s32 v1, v2;
	_ =	sdelay $0x3  }
0x18: {  	s4 =	sshll.u32 s1, $0x7;
	s29 =	simm.s32 $0x0  }
0x19: {  	s30 =	simm.s32 $0x1000;
	s31 =	simm.s32 $0x1;
	s2 =	sadd.s32 s2, s4;
	[tilespmem:v1+s3+$0x0] =	vst.idx.add.f32.msk $0xffff, v0  }
0x1a: {  	[hbm4b:s2+s29] =	stream.linear.scatter [tilespmem:s30], [sflag:$0x1], $0x400, $0x38;
	[tilespmem:$0x1400] =	vst v63  }
0x1b: {  	_ =	swait.ge [sflag:s31], $0x400  }
0x1c: {  	[sflag:s31] =	ssyncset.done $0x0  }
0x1d: {  	[sflag:s31] =	ssyncadd.s32 $0xFFFFFC00  }
0x1e: {  	_ =	sfence.sel $0x180000  }
0x1f: {  	[bflag:$0x0] =	sbarrier.arrive $0xFFFF  }
0x20: {  	p0 =	sne.s32 s1, $0x0;
	_ =	strace $0x90000047  }
0x21: {  	s0 =	sadd.s32 @!p0 $0x100000, s0;
	[bflag:$0x2] =	sbarrier.arrive $0xFFFF  }
0x22: {  	[sflag:s0] =	ssyncadd.tile.s32 @!p0 $0x1;
	_ =	shalt  }
.Lfunc_end2:
_tile_overlayer_lowered:
.L_overlay_start_2:
0x23: {  	(tag) =	ssettag $0x2  }
0x24: {  	s0 =	rddreg [dreg:$0x0];
	s2 =	stileid.u32  }
0x25: {  	s1 =	rddreg [dreg:$0x1];
	p0 =	sne.s32 s2, $0x0  }
0x26: {  	s3 =	rddreg [dreg:$0x2];
	[bflag:$0x3] =	sbarrier.arrive $0xFFFF;
	s2 =	simm.s32 @!p0 $0x1C01  }
0x27: {  	[timem:s3], [sflag:s2] =	dma.local @!p0 [hbm:s0], s1  }
0x28: {  	s0 =	simm.s32 @!p0 $0x1  }
0x29: {  	_ =	swait.ge @!p0 [sflag:s0], s1  }
0x2a: {  	s1 =	ssub.s32 @!p0 $0x0, s1;
	[sflag:s0] =	ssyncset.done @!p0 $0x0  }
0x2b: {  	[sflag:s0] =	ssyncadd.s32 @!p0 s1  }
0x2c: {  	[bflag:$0x3] =	sbarrier.arrive $0xFFFF  }
0x2d: {  	_ =	shalt  }

</sc_bundles>
